<compile_context>
chip_gen: v7x
topology: tpu7x:2x2x1
jax: 0.10.2.dev20260603
libtpu: 0.0.44.dev20260713+nightly
codegen_flags: <defaults>
</compile_context>

<pallas_src>
import functools

import jax
import jax.numpy as jnp
from jax import lax
from jax.experimental import pallas as pl
from jax.experimental.pallas import tpu as pltpu
from jax.experimental.pallas import tpu_sc as plsc

_NC = 2
_NS = 16
_L = 16
_TR, _TC_ = 8, 128


def _sc_pos_kernel(h, w, d, b, row_hbm, col_hbm, out_hbm, rowg_v, buf_v, sem, insem):
    wid = lax.axis_index("s") * _NC + lax.axis_index("c")

    in_handles = []
    for g in range(w // _TR):
        in_handles.append(
            pltpu.async_copy(
                col_hbm.at[pl.ds(g * _TR, _TR), :],
                buf_v.at[pl.ds(g * _TR, _TR), pl.ds(0, d)],
                insem,
            )
        )
    grp = (wid // _TR) * _TR
    in_handles.append(
        pltpu.async_copy(row_hbm.at[pl.ds(grp, _TR), :], rowg_v, insem)
    )
    for hnd in in_handles:
        hnd.wait()
    rsub = wid % _TR
    rvecs = [rowg_v[rsub, pl.ds(k * _L, _L)] for k in range(d // _L)]

    nk = d // _L

    def fill_row(wi, carry):
        for k in range(nk):
            buf_v[wi, pl.ds(d + k * _L, _L)] = rvecs[k]
        return carry

    lax.fori_loop(0, w, fill_row, 0)
    handles = [
        pltpu.async_copy(buf_v, out_hbm.at[i, wid], sem) for i in range(b)
    ]
    for hnd in handles:
        hnd.wait()


def kernel(input_tensor, row_embed, col_embed):
    b = input_tensor.shape[0]
    h, w = input_tensor.shape[-2], input_tensor.shape[-1]
    d = row_embed.shape[-1]
    mesh = plsc.VectorSubcoreMesh(core_axis_name="c", subcore_axis_name="s")
    f = pl.kernel(
        functools.partial(_sc_pos_kernel, h, w, d, b),
        out_type=jax.ShapeDtypeStruct((b, h, w, 2 * d), jnp.float32),
        mesh=mesh,
        scratch_types=[
            pltpu.VMEM((_TR, d), jnp.float32),
            pltpu.VMEM((w, 2 * d), jnp.float32),
            pltpu.SemaphoreType.DMA,
            pltpu.SemaphoreType.DMA,
        ],
        compiler_params=pltpu.CompilerParams(needs_layout_passes=False),
    )
    out = f(row_embed, col_embed)
    return out.transpose(0, 3, 1, 2)

# --- scband reference (transcript-rebuilt; emitter-appended) ---
"""Pipeline reference for scband-learned-positional-embedding-65309272703201 (READ-ONLY COPY).

The authoritative reference and input builder live on the scoring server;
editing this copy changes nothing except your own understanding.
"""

import jax, jax.numpy as jnp
import numpy as np

EMBED_DIM = 256
NUM_POS = 50


def setup_inputs(seed: int = 0) -> dict:
    key = jax.random.key(seed)
    k1, k2, k3 = jax.random.split(key, 3)
    input_tensor = jax.random.normal(k1, (4, 384, 32, 32), dtype=jnp.float32)
    # nn.init.uniform_ -> U[0, 1)
    row_embed = jax.random.uniform(k2, (NUM_POS, EMBED_DIM), dtype=jnp.float32)
    col_embed = jax.random.uniform(k3, (NUM_POS, EMBED_DIM), dtype=jnp.float32)
    return {"input_tensor": input_tensor, "row_embed": row_embed, "col_embed": col_embed}


def reference(input_tensor, row_embed, col_embed):
    x = input_tensor
    b = x.shape[0]
    h, w = x.shape[-2], x.shape[-1]
    i = jnp.arange(w)
    j = jnp.arange(h)
    x_emb = jnp.take(col_embed, i, axis=0)  # [w, d]
    y_emb = jnp.take(row_embed, j, axis=0)  # [h, d]
    # x_emb.unsqueeze(0).repeat(h,1,1) -> [h, w, d]
    xe = jnp.broadcast_to(x_emb[None, :, :], (h, w, x_emb.shape[-1]))
    # y_emb.unsqueeze(1).repeat(1,w,1) -> [h, w, d]
    ye = jnp.broadcast_to(y_emb[:, None, :], (h, w, y_emb.shape[-1]))
    pos = jnp.concatenate([xe, ye], axis=-1)  # [h, w, 2d]
    pos = jnp.transpose(pos, (2, 0, 1))  # [2d, h, w]
    pos = jnp.broadcast_to(pos[None, :, :, :], (b,) + pos.shape)  # [b, 2d, h, w]
    return pos

if __name__ == "__main__":
    import jax
    _d = setup_inputs()
    print(jax.jit(kernel)(*tuple(_d.values())))

</pallas_src>

<mosaic_0001>
#map = affine_map<(d0, d1) -> (0, 0)>
#map1 = affine_map<(d0, d1) -> (0, 0, 0, 0)>
module attributes {stable_mosaic.version = 14 : i64} {
  func.func @_sc_pos_kernel(%arg0: i32, %arg1: i32, %arg2: memref<50x256xf32, #tpu.memory_space<hbm>>, %arg3: memref<50x256xf32, #tpu.memory_space<hbm>>, %arg4: memref<4x32x32x512xf32, #tpu.memory_space<hbm>>, %arg5: memref<8x256xf32, #tpu.memory_space<vmem>>, %arg6: memref<32x512xf32, #tpu.memory_space<vmem>>, %arg7: memref<!tpu.dma_semaphore, #tpu.memory_space<semaphore_mem>>, %arg8: memref<!tpu.dma_semaphore, #tpu.memory_space<semaphore_mem>>) attributes {dimension_semantics = [#tpu.dimension_semantics<core_parallel>, #tpu.dimension_semantics<subcore_parallel>], iteration_bounds = array<i64: 2, 16>, scalar_prefetch = 0 : i64, scratch_operands = 4 : i64, tpu.core_type = #tpu.core_type<sc_vector_subcore>, window_params = [{transform_indices = #map}, {transform_indices = #map}, {transform_indices = #map1}]} {
    %mul3A = arith.constant 2 : i32
    %mul3A_0 = arith.muli %arg1, %mul3A : i32
    %add3A = arith.addi %mul3A_0, %arg0 : i32
    %dma_start3A = arith.constant 0 : i32
    %dma_start3A_1 = arith.constant 0 : i32
    %dma_start3A_2 = tpu.memref_slice %arg6[%dma_start3A, %dma_start3A_1] : memref<32x512xf32, #tpu.memory_space<vmem>> -> memref<8x256xf32, #tpu.memory_space<vmem>>
    %dma_start3A_3 = arith.constant 0 : i32
    %dma_start3A_4 = arith.constant 0 : i32
    %dma_start3A_5 = tpu.memref_slice %arg3[%dma_start3A_3, %dma_start3A_4] : memref<50x256xf32, #tpu.memory_space<hbm>> -> memref<8x256xf32, #tpu.memory_space<hbm>>
    %dma_start3A_6 = arith.constant 0 : i32
    %dma_start3A_7 = arith.constant 0 : i32
    %dma_start3A_8 = tpu.memref_slice %arg6[%dma_start3A_6, %dma_start3A_7] : memref<32x512xf32, #tpu.memory_space<vmem>> -> memref<8x256xf32, #tpu.memory_space<vmem>>
    %dma_start3A_9 = arith.constant 0 : i32
    %dma_start3A_10 = arith.constant 0 : i32
    %dma_start3A_11 = tpu.memref_slice %arg3[%dma_start3A_9, %dma_start3A_10] : memref<50x256xf32, #tpu.memory_space<hbm>> -> memref<8x256xf32, #tpu.memory_space<hbm>>
    tpu.enqueue_dma source(%dma_start3A_11 : memref<8x256xf32, #tpu.memory_space<hbm>>) target(%dma_start3A_8 : memref<8x256xf32, #tpu.memory_space<vmem>>) target_semaphore(%arg8 : memref<!tpu.dma_semaphore, #tpu.memory_space<semaphore_mem>>)
    %dma_start3A_12 = arith.constant 8 : i32
    %dma_start3A_13 = arith.constant 0 : i32
    %dma_start3A_14 = tpu.memref_slice %arg6[%dma_start3A_12, %dma_start3A_13] : memref<32x512xf32, #tpu.memory_space<vmem>> -> memref<8x256xf32, #tpu.memory_space<vmem>>
    %dma_start3A_15 = arith.constant 8 : i32
    %dma_start3A_16 = arith.constant 0 : i32
    %dma_start3A_17 = tpu.memref_slice %arg3[%dma_start3A_15, %dma_start3A_16] : memref<50x256xf32, #tpu.memory_space<hbm>> -> memref<8x256xf32, #tpu.memory_space<hbm>>
    %dma_start3A_18 = arith.constant 8 : i32
    %dma_start3A_19 = arith.constant 0 : i32
    %dma_start3A_20 = tpu.memref_slice %arg6[%dma_start3A_18, %dma_start3A_19] : memref<32x512xf32, #tpu.memory_space<vmem>> -> memref<8x256xf32, #tpu.memory_space<vmem>>
    %dma_start3A_21 = arith.constant 8 : i32
    %dma_start3A_22 = arith.constant 0 : i32
    %dma_start3A_23 = tpu.memref_slice %arg3[%dma_start3A_21, %dma_start3A_22] : memref<50x256xf32, #tpu.memory_space<hbm>> -> memref<8x256xf32, #tpu.memory_space<hbm>>
    tpu.enqueue_dma source(%dma_start3A_23 : memref<8x256xf32, #tpu.memory_space<hbm>>) target(%dma_start3A_20 : memref<8x256xf32, #tpu.memory_space<vmem>>) target_semaphore(%arg8 : memref<!tpu.dma_semaphore, #tpu.memory_space<semaphore_mem>>)
    %dma_start3A_24 = arith.constant 16 : i32
    %dma_start3A_25 = arith.constant 0 : i32
    %dma_start3A_26 = tpu.memref_slice %arg6[%dma_start3A_24, %dma_start3A_25] : memref<32x512xf32, #tpu.memory_space<vmem>> -> memref<8x256xf32, #tpu.memory_space<vmem>>
    %dma_start3A_27 = arith.constant 16 : i32
    %dma_start3A_28 = arith.constant 0 : i32
    %dma_start3A_29 = tpu.memref_slice %arg3[%dma_start3A_27, %dma_start3A_28] : memref<50x256xf32, #tpu.memory_space<hbm>> -> memref<8x256xf32, #tpu.memory_space<hbm>>
    %dma_start3A_30 = arith.constant 16 : i32
    %dma_start3A_31 = arith.constant 0 : i32
    %dma_start3A_32 = tpu.memref_slice %arg6[%dma_start3A_30, %dma_start3A_31] : memref<32x512xf32, #tpu.memory_space<vmem>> -> memref<8x256xf32, #tpu.memory_space<vmem>>
    %dma_start3A_33 = arith.constant 16 : i32
    %dma_start3A_34 = arith.constant 0 : i32
    %dma_start3A_35 = tpu.memref_slice %arg3[%dma_start3A_33, %dma_start3A_34] : memref<50x256xf32, #tpu.memory_space<hbm>> -> memref<8x256xf32, #tpu.memory_space<hbm>>
    tpu.enqueue_dma source(%dma_start3A_35 : memref<8x256xf32, #tpu.memory_space<hbm>>) target(%dma_start3A_32 : memref<8x256xf32, #tpu.memory_space<vmem>>) target_semaphore(%arg8 : memref<!tpu.dma_semaphore, #tpu.memory_space<semaphore_mem>>)
    %dma_start3A_36 = arith.constant 24 : i32
    %dma_start3A_37 = arith.constant 0 : i32
    %dma_start3A_38 = tpu.memref_slice %arg6[%dma_start3A_36, %dma_start3A_37] : memref<32x512xf32, #tpu.memory_space<vmem>> -> memref<8x256xf32, #tpu.memory_space<vmem>>
    %dma_start3A_39 = arith.constant 24 : i32
    %dma_start3A_40 = arith.constant 0 : i32
    %dma_start3A_41 = tpu.memref_slice %arg3[%dma_start3A_39, %dma_start3A_40] : memref<50x256xf32, #tpu.memory_space<hbm>> -> memref<8x256xf32, #tpu.memory_space<hbm>>
    %dma_start3A_42 = arith.constant 24 : i32
    %dma_start3A_43 = arith.constant 0 : i32
    %dma_start3A_44 = tpu.memref_slice %arg6[%dma_start3A_42, %dma_start3A_43] : memref<32x512xf32, #tpu.memory_space<vmem>> -> memref<8x256xf32, #tpu.memory_space<vmem>>
    %dma_start3A_45 = arith.constant 24 : i32
    %dma_start3A_46 = arith.constant 0 : i32
    %dma_start3A_47 = tpu.memref_slice %arg3[%dma_start3A_45, %dma_start3A_46] : memref<50x256xf32, #tpu.memory_space<hbm>> -> memref<8x256xf32, #tpu.memory_space<hbm>>
    tpu.enqueue_dma source(%dma_start3A_47 : memref<8x256xf32, #tpu.memory_space<hbm>>) target(%dma_start3A_44 : memref<8x256xf32, #tpu.memory_space<vmem>>) target_semaphore(%arg8 : memref<!tpu.dma_semaphore, #tpu.memory_space<semaphore_mem>>)
    %jit3A = arith.constant 8 : i32
    %div3A = arith.divsi %add3A, %jit3A : i32
    %sign3A = arith.constant 0 : i32
    %sign3A_48 = arith.cmpi sgt, %add3A, %sign3A : i32
    %sign3A_49 = arith.extui %sign3A_48 : i1 to i32
    %sign3A_50 = arith.constant 0 : i32
    %sign3A_51 = arith.cmpi slt, %add3A, %sign3A_50 : i32
    %sign3A_52 = arith.extui %sign3A_51 : i1 to i32
    %sign3A_53 = arith.subi %sign3A_49, %sign3A_52 : i32
    %sign3A_54 = arith.constant 0 : i32
    %sign3A_55 = arith.cmpi sgt, %jit3A, %sign3A_54 : i32
    %sign3A_56 = arith.extui %sign3A_55 : i1 to i32
    %sign3A_57 = arith.constant 0 : i32
    %sign3A_58 = arith.cmpi slt, %jit3A, %sign3A_57 : i32
    %sign3A_59 = arith.extui %sign3A_58 : i1 to i32
    %sign3A_60 = arith.subi %sign3A_56, %sign3A_59 : i32
    %ne3A = arith.cmpi ne, %sign3A_53, %sign3A_60 : i32
    %rem3A = arith.remsi %add3A, %jit3A : i32
    %ne3A_61 = arith.constant 0 : i32
    %ne3A_62 = arith.cmpi ne, %rem3A, %ne3A_61 : i32
    %and3A = arith.andi %ne3A, %ne3A_62 : i1
    %sub3A = arith.constant 1 : i32
    %sub3A_63 = arith.subi %div3A, %sub3A : i32
    %select_n3A = arith.select %and3A, %sub3A_63, %div3A : i32
    %mul3A_64 = arith.constant 8 : i32
    %mul3A_65 = arith.muli %select_n3A, %mul3A_64 : i32
    %dma_start3A_66 = arith.constant 0 : i32
    %dma_start3A_67 = tpu.memref_slice %arg2[%mul3A_65, %dma_start3A_66] : memref<50x256xf32, #tpu.memory_space<hbm>> -> memref<8x256xf32, #tpu.memory_space<hbm>>
    %dma_start3A_68 = arith.constant 0 : i32
    %dma_start3A_69 = tpu.memref_slice %arg2[%mul3A_65, %dma_start3A_68] : memref<50x256xf32, #tpu.memory_space<hbm>> -> memref<8x256xf32, #tpu.memory_space<hbm>>
    tpu.enqueue_dma source(%dma_start3A_69 : memref<8x256xf32, #tpu.memory_space<hbm>>) target(%arg5 : memref<8x256xf32, #tpu.memory_space<vmem>>) target_semaphore(%arg8 : memref<!tpu.dma_semaphore, #tpu.memory_space<semaphore_mem>>)
    %dma_wait3A = arith.constant 0 : i32
    %dma_wait3A_70 = arith.constant 0 : i32
    %dma_wait3A_71 = tpu.memref_slice %arg6[%dma_wait3A, %dma_wait3A_70] : memref<32x512xf32, #tpu.memory_space<vmem>> -> memref<8x256xf32, #tpu.memory_space<vmem>>
    %dma_wait3A_72 = arith.constant 0 : i32
    %dma_wait3A_73 = arith.constant 0 : i32
    %dma_wait3A_74 = tpu.memref_slice %arg3[%dma_wait3A_72, %dma_wait3A_73] : memref<50x256xf32, #tpu.memory_space<hbm>> -> memref<8x256xf32, #tpu.memory_space<hbm>>
    %dma_wait3A_75 = arith.constant 0 : i32
    %dma_wait3A_76 = arith.constant 0 : i32
    %dma_wait3A_77 = tpu.memref_slice %arg6[%dma_wait3A_75, %dma_wait3A_76] : memref<32x512xf32, #tpu.memory_space<vmem>> -> memref<8x256xf32, #tpu.memory_space<vmem>>
    %dma_wait3A_78 = arith.constant 0 : i32
    %dma_wait3A_79 = arith.constant 0 : i32
    %dma_wait3A_80 = tpu.memref_slice %arg3[%dma_wait3A_78, %dma_wait3A_79] : memref<50x256xf32, #tpu.memory_space<hbm>> -> memref<8x256xf32, #tpu.memory_space<hbm>>
    tpu.wait_dma2 semaphore(%arg8 : memref<!tpu.dma_semaphore, #tpu.memory_space<semaphore_mem>>) src(%dma_wait3A_80 : memref<8x256xf32, #tpu.memory_space<hbm>>) dst(%dma_wait3A_77 : memref<8x256xf32, #tpu.memory_space<vmem>>)
    %dma_wait3A_81 = arith.constant 8 : i32
    %dma_wait3A_82 = arith.constant 0 : i32
    %dma_wait3A_83 = tpu.memref_slice %arg6[%dma_wait3A_81, %dma_wait3A_82] : memref<32x512xf32, #tpu.memory_space<vmem>> -> memref<8x256xf32, #tpu.memory_space<vmem>>
    %dma_wait3A_84 = arith.constant 8 : i32
    %dma_wait3A_85 = arith.constant 0 : i32
    %dma_wait3A_86 = tpu.memref_slice %arg3[%dma_wait3A_84, %dma_wait3A_85] : memref<50x256xf32, #tpu.memory_space<hbm>> -> memref<8x256xf32, #tpu.memory_space<hbm>>
    %dma_wait3A_87 = arith.constant 8 : i32
    %dma_wait3A_88 = arith.constant 0 : i32
    %dma_wait3A_89 = tpu.memref_slice %arg6[%dma_wait3A_87, %dma_wait3A_88] : memref<32x512xf32, #tpu.memory_space<vmem>> -> memref<8x256xf32, #tpu.memory_space<vmem>>
    %dma_wait3A_90 = arith.constant 8 : i32
    %dma_wait3A_91 = arith.constant 0 : i32
    %dma_wait3A_92 = tpu.memref_slice %arg3[%dma_wait3A_90, %dma_wait3A_91] : memref<50x256xf32, #tpu.memory_space<hbm>> -> memref<8x256xf32, #tpu.memory_space<hbm>>
    tpu.wait_dma2 semaphore(%arg8 : memref<!tpu.dma_semaphore, #tpu.memory_space<semaphore_mem>>) src(%dma_wait3A_92 : memref<8x256xf32, #tpu.memory_space<hbm>>) dst(%dma_wait3A_89 : memref<8x256xf32, #tpu.memory_space<vmem>>)
    %dma_wait3A_93 = arith.constant 16 : i32
    %dma_wait3A_94 = arith.constant 0 : i32
    %dma_wait3A_95 = tpu.memref_slice %arg6[%dma_wait3A_93, %dma_wait3A_94] : memref<32x512xf32, #tpu.memory_space<vmem>> -> memref<8x256xf32, #tpu.memory_space<vmem>>
    %dma_wait3A_96 = arith.constant 16 : i32
    %dma_wait3A_97 = arith.constant 0 : i32
    %dma_wait3A_98 = tpu.memref_slice %arg3[%dma_wait3A_96, %dma_wait3A_97] : memref<50x256xf32, #tpu.memory_space<hbm>> -> memref<8x256xf32, #tpu.memory_space<hbm>>
    %dma_wait3A_99 = arith.constant 16 : i32
    %dma_wait3A_100 = arith.constant 0 : i32
    %dma_wait3A_101 = tpu.memref_slice %arg6[%dma_wait3A_99, %dma_wait3A_100] : memref<32x512xf32, #tpu.memory_space<vmem>> -> memref<8x256xf32, #tpu.memory_space<vmem>>
    %dma_wait3A_102 = arith.constant 16 : i32
    %dma_wait3A_103 = arith.constant 0 : i32
    %dma_wait3A_104 = tpu.memref_slice %arg3[%dma_wait3A_102, %dma_wait3A_103] : memref<50x256xf32, #tpu.memory_space<hbm>> -> memref<8x256xf32, #tpu.memory_space<hbm>>
    tpu.wait_dma2 semaphore(%arg8 : memref<!tpu.dma_semaphore, #tpu.memory_space<semaphore_mem>>) src(%dma_wait3A_104 : memref<8x256xf32, #tpu.memory_space<hbm>>) dst(%dma_wait3A_101 : memref<8x256xf32, #tpu.memory_space<vmem>>)
    %dma_wait3A_105 = arith.constant 24 : i32
    %dma_wait3A_106 = arith.constant 0 : i32
    %dma_wait3A_107 = tpu.memref_slice %arg6[%dma_wait3A_105, %dma_wait3A_106] : memref<32x512xf32, #tpu.memory_space<vmem>> -> memref<8x256xf32, #tpu.memory_space<vmem>>
    %dma_wait3A_108 = arith.constant 24 : i32
    %dma_wait3A_109 = arith.constant 0 : i32
    %dma_wait3A_110 = tpu.memref_slice %arg3[%dma_wait3A_108, %dma_wait3A_109] : memref<50x256xf32, #tpu.memory_space<hbm>> -> memref<8x256xf32, #tpu.memory_space<hbm>>
    %dma_wait3A_111 = arith.constant 24 : i32
    %dma_wait3A_112 = arith.constant 0 : i32
    %dma_wait3A_113 = tpu.memref_slice %arg6[%dma_wait3A_111, %dma_wait3A_112] : memref<32x512xf32, #tpu.memory_space<vmem>> -> memref<8x256xf32, #tpu.memory_space<vmem>>
    %dma_wait3A_114 = arith.constant 24 : i32
    %dma_wait3A_115 = arith.constant 0 : i32
    %dma_wait3A_116 = tpu.memref_slice %arg3[%dma_wait3A_114, %dma_wait3A_115] : memref<50x256xf32, #tpu.memory_space<hbm>> -> memref<8x256xf32, #tpu.memory_space<hbm>>
    tpu.wait_dma2 semaphore(%arg8 : memref<!tpu.dma_semaphore, #tpu.memory_space<semaphore_mem>>) src(%dma_wait3A_116 : memref<8x256xf32, #tpu.memory_space<hbm>>) dst(%dma_wait3A_113 : memref<8x256xf32, #tpu.memory_space<vmem>>)
    %dma_wait3A_117 = arith.constant 0 : i32
    %dma_wait3A_118 = tpu.memref_slice %arg2[%mul3A_65, %dma_wait3A_117] : memref<50x256xf32, #tpu.memory_space<hbm>> -> memref<8x256xf32, #tpu.memory_space<hbm>>
    %dma_wait3A_119 = arith.constant 0 : i32
    %dma_wait3A_120 = tpu.memref_slice %arg2[%mul3A_65, %dma_wait3A_119] : memref<50x256xf32, #tpu.memory_space<hbm>> -> memref<8x256xf32, #tpu.memory_space<hbm>>
    tpu.wait_dma2 semaphore(%arg8 : memref<!tpu.dma_semaphore, #tpu.memory_space<semaphore_mem>>) src(%dma_wait3A_120 : memref<8x256xf32, #tpu.memory_space<hbm>>) dst(%arg5 : memref<8x256xf32, #tpu.memory_space<vmem>>)
    %jit3A_121 = arith.constant 8 : i32
    %eq3A = arith.constant 0 : i32
    %eq3A_122 = arith.cmpi eq, %jit3A_121, %eq3A : i32
    %jit3A_123 = arith.constant 1 : i32
    %select_n3A_124 = arith.select %eq3A_122, %jit3A_123, %jit3A_121 : i32
    %rem3A_125 = arith.remsi %add3A, %select_n3A_124 : i32
    %ne3A_126 = arith.constant 0 : i32
    %ne3A_127 = arith.cmpi ne, %rem3A_125, %ne3A_126 : i32
    %lt3A = arith.constant 0 : i32
    %lt3A_128 = arith.cmpi slt, %rem3A_125, %lt3A : i32
    %lt3A_129 = arith.constant 0 : i32
    %lt3A_130 = arith.cmpi slt, %select_n3A_124, %lt3A_129 : i32
    %ne3A_131 = arith.xori %lt3A_128, %lt3A_130 : i1
    %and3A_132 = arith.andi %ne3A_131, %ne3A_127 : i1
    %add3A_133 = arith.addi %rem3A_125, %select_n3A_124 : i32
    %select_n3A_134 = arith.select %and3A_132, %add3A_133, %rem3A_125 : i32
    %get3A = arith.index_cast %select_n3A_134 : i32 to index
    %get3A_135 = arith.constant 0 : index
    %get3A_136 = tpu.vector_load %arg5[%get3A, %get3A_135] {strides = array<i32>} : memref<8x256xf32, #tpu.memory_space<vmem>>, vector<16xf32>,
    %get3A_137 = arith.index_cast %select_n3A_134 : i32 to index
    %get3A_138 = arith.constant 16 : index
    %get3A_139 = tpu.vector_load %arg5[%get3A_137, %get3A_138] {strides = array<i32>} : memref<8x256xf32, #tpu.memory_space<vmem>>, vector<16xf32>,
    %get3A_140 = arith.index_cast %select_n3A_134 : i32 to index
    %get3A_141 = arith.constant 32 : index
    %get3A_142 = tpu.vector_load %arg5[%get3A_140, %get3A_141] {strides = array<i32>} : memref<8x256xf32, #tpu.memory_space<vmem>>, vector<16xf32>,
    %get3A_143 = arith.index_cast %select_n3A_134 : i32 to index
    %get3A_144 = arith.constant 48 : index
    %get3A_145 = tpu.vector_load %arg5[%get3A_143, %get3A_144] {strides = array<i32>} : memref<8x256xf32, #tpu.memory_space<vmem>>, vector<16xf32>,
    %get3A_146 = arith.index_cast %select_n3A_134 : i32 to index
    %get3A_147 = arith.constant 64 : index
    %get3A_148 = tpu.vector_load %arg5[%get3A_146, %get3A_147] {strides = array<i32>} : memref<8x256xf32, #tpu.memory_space<vmem>>, vector<16xf32>,
    %get3A_149 = arith.index_cast %select_n3A_134 : i32 to index
    %get3A_150 = arith.constant 80 : index
    %get3A_151 = tpu.vector_load %arg5[%get3A_149, %get3A_150] {strides = array<i32>} : memref<8x256xf32, #tpu.memory_space<vmem>>, vector<16xf32>,
    %get3A_152 = arith.index_cast %select_n3A_134 : i32 to index
    %get3A_153 = arith.constant 96 : index
    %get3A_154 = tpu.vector_load %arg5[%get3A_152, %get3A_153] {strides = array<i32>} : memref<8x256xf32, #tpu.memory_space<vmem>>, vector<16xf32>,
    %get3A_155 = arith.index_cast %select_n3A_134 : i32 to index
    %get3A_156 = arith.constant 112 : index
    %get3A_157 = tpu.vector_load %arg5[%get3A_155, %get3A_156] {strides = array<i32>} : memref<8x256xf32, #tpu.memory_space<vmem>>, vector<16xf32>,
    %get3A_158 = arith.index_cast %select_n3A_134 : i32 to index
    %get3A_159 = arith.constant 128 : index
    %get3A_160 = tpu.vector_load %arg5[%get3A_158, %get3A_159] {strides = array<i32>} : memref<8x256xf32, #tpu.memory_space<vmem>>, vector<16xf32>,
    %get3A_161 = arith.index_cast %select_n3A_134 : i32 to index
    %get3A_162 = arith.constant 144 : index
    %get3A_163 = tpu.vector_load %arg5[%get3A_161, %get3A_162] {strides = array<i32>} : memref<8x256xf32, #tpu.memory_space<vmem>>, vector<16xf32>,
    %get3A_164 = arith.index_cast %select_n3A_134 : i32 to index
    %get3A_165 = arith.constant 160 : index
    %get3A_166 = tpu.vector_load %arg5[%get3A_164, %get3A_165] {strides = array<i32>} : memref<8x256xf32, #tpu.memory_space<vmem>>, vector<16xf32>,
    %get3A_167 = arith.index_cast %select_n3A_134 : i32 to index
    %get3A_168 = arith.constant 176 : index
    %get3A_169 = tpu.vector_load %arg5[%get3A_167, %get3A_168] {strides = array<i32>} : memref<8x256xf32, #tpu.memory_space<vmem>>, vector<16xf32>,
    %get3A_170 = arith.index_cast %select_n3A_134 : i32 to index
    %get3A_171 = arith.constant 192 : index
    %get3A_172 = tpu.vector_load %arg5[%get3A_170, %get3A_171] {strides = array<i32>} : memref<8x256xf32, #tpu.memory_space<vmem>>, vector<16xf32>,
    %get3A_173 = arith.index_cast %select_n3A_134 : i32 to index
    %get3A_174 = arith.constant 208 : index
    %get3A_175 = tpu.vector_load %arg5[%get3A_173, %get3A_174] {strides = array<i32>} : memref<8x256xf32, #tpu.memory_space<vmem>>, vector<16xf32>,
    %get3A_176 = arith.index_cast %select_n3A_134 : i32 to index
    %get3A_177 = arith.constant 224 : index
    %get3A_178 = tpu.vector_load %arg5[%get3A_176, %get3A_177] {strides = array<i32>} : memref<8x256xf32, #tpu.memory_space<vmem>>, vector<16xf32>,
    %get3A_179 = arith.index_cast %select_n3A_134 : i32 to index
    %get3A_180 = arith.constant 240 : index
    %get3A_181 = tpu.vector_load %arg5[%get3A_179, %get3A_180] {strides = array<i32>} : memref<8x256xf32, #tpu.memory_space<vmem>>, vector<16xf32>,
    %scan3A = arith.constant 0 : i32
    %scan3A_182 = arith.constant 0 : i32
    %scan3A_183 = arith.constant 32 : i32
    %scan3A_184 = arith.addi %scan3A_182, %scan3A_183 : i32
    %scan3A_185 = arith.constant 1 : i32
    scf.for %scan3A_259 = %scan3A_182 to %scan3A_184 step %scan3A_185  : i32 {
      %swap3A = arith.index_cast %scan3A_259 : i32 to index
      %swap3A_260 = arith.constant 256 : index
      %swap3A_261 = tpu.vector_load %arg6[%swap3A, %swap3A_260] {strides = array<i32>} : memref<32x512xf32, #tpu.memory_space<vmem>>, vector<16xf32>,
      tpu.vector_store %arg6[%swap3A, %swap3A_260], %get3A_136 {strides = array<i32>} : memref<32x512xf32, #tpu.memory_space<vmem>>, vector<16xf32>,
      %swap3A_262 = arith.index_cast %scan3A_259 : i32 to index
      %swap3A_263 = arith.constant 272 : index
      %swap3A_264 = tpu.vector_load %arg6[%swap3A_262, %swap3A_263] {strides = array<i32>} : memref<32x512xf32, #tpu.memory_space<vmem>>, vector<16xf32>,
      tpu.vector_store %arg6[%swap3A_262, %swap3A_263], %get3A_139 {strides = array<i32>} : memref<32x512xf32, #tpu.memory_space<vmem>>, vector<16xf32>,
      %swap3A_265 = arith.index_cast %scan3A_259 : i32 to index
      %swap3A_266 = arith.constant 288 : index
      %swap3A_267 = tpu.vector_load %arg6[%swap3A_265, %swap3A_266] {strides = array<i32>} : memref<32x512xf32, #tpu.memory_space<vmem>>, vector<16xf32>,
      tpu.vector_store %arg6[%swap3A_265, %swap3A_266], %get3A_142 {strides = array<i32>} : memref<32x512xf32, #tpu.memory_space<vmem>>, vector<16xf32>,
      %swap3A_268 = arith.index_cast %scan3A_259 : i32 to index
      %swap3A_269 = arith.constant 304 : index
      %swap3A_270 = tpu.vector_load %arg6[%swap3A_268, %swap3A_269] {strides = array<i32>} : memref<32x512xf32, #tpu.memory_space<vmem>>, vector<16xf32>,
      tpu.vector_store %arg6[%swap3A_268, %swap3A_269], %get3A_145 {strides = array<i32>} : memref<32x512xf32, #tpu.memory_space<vmem>>, vector<16xf32>,
      %swap3A_271 = arith.index_cast %scan3A_259 : i32 to index
      %swap3A_272 = arith.constant 320 : index
      %swap3A_273 = tpu.vector_load %arg6[%swap3A_271, %swap3A_272] {strides = array<i32>} : memref<32x512xf32, #tpu.memory_space<vmem>>, vector<16xf32>,
      tpu.vector_store %arg6[%swap3A_271, %swap3A_272], %get3A_148 {strides = array<i32>} : memref<32x512xf32, #tpu.memory_space<vmem>>, vector<16xf32>,
      %swap3A_274 = arith.index_cast %scan3A_259 : i32 to index
      %swap3A_275 = arith.constant 336 : index
      %swap3A_276 = tpu.vector_load %arg6[%swap3A_274, %swap3A_275] {strides = array<i32>} : memref<32x512xf32, #tpu.memory_space<vmem>>, vector<16xf32>,
      tpu.vector_store %arg6[%swap3A_274, %swap3A_275], %get3A_151 {strides = array<i32>} : memref<32x512xf32, #tpu.memory_space<vmem>>, vector<16xf32>,
      %swap3A_277 = arith.index_cast %scan3A_259 : i32 to index
      %swap3A_278 = arith.constant 352 : index
      %swap3A_279 = tpu.vector_load %arg6[%swap3A_277, %swap3A_278] {strides = array<i32>} : memref<32x512xf32, #tpu.memory_space<vmem>>, vector<16xf32>,
      tpu.vector_store %arg6[%swap3A_277, %swap3A_278], %get3A_154 {strides = array<i32>} : memref<32x512xf32, #tpu.memory_space<vmem>>, vector<16xf32>,
      %swap3A_280 = arith.index_cast %scan3A_259 : i32 to index
      %swap3A_281 = arith.constant 368 : index
      %swap3A_282 = tpu.vector_load %arg6[%swap3A_280, %swap3A_281] {strides = array<i32>} : memref<32x512xf32, #tpu.memory_space<vmem>>, vector<16xf32>,
      tpu.vector_store %arg6[%swap3A_280, %swap3A_281], %get3A_157 {strides = array<i32>} : memref<32x512xf32, #tpu.memory_space<vmem>>, vector<16xf32>,
      %swap3A_283 = arith.index_cast %scan3A_259 : i32 to index
      %swap3A_284 = arith.constant 384 : index
      %swap3A_285 = tpu.vector_load %arg6[%swap3A_283, %swap3A_284] {strides = array<i32>} : memref<32x512xf32, #tpu.memory_space<vmem>>, vector<16xf32>,
      tpu.vector_store %arg6[%swap3A_283, %swap3A_284], %get3A_160 {strides = array<i32>} : memref<32x512xf32, #tpu.memory_space<vmem>>, vector<16xf32>,
      %swap3A_286 = arith.index_cast %scan3A_259 : i32 to index
      %swap3A_287 = arith.constant 400 : index
      %swap3A_288 = tpu.vector_load %arg6[%swap3A_286, %swap3A_287] {strides = array<i32>} : memref<32x512xf32, #tpu.memory_space<vmem>>, vector<16xf32>,
      tpu.vector_store %arg6[%swap3A_286, %swap3A_287], %get3A_163 {strides = array<i32>} : memref<32x512xf32, #tpu.memory_space<vmem>>, vector<16xf32>,
      %swap3A_289 = arith.index_cast %scan3A_259 : i32 to index
      %swap3A_290 = arith.constant 416 : index
      %swap3A_291 = tpu.vector_load %arg6[%swap3A_289, %swap3A_290] {strides = array<i32>} : memref<32x512xf32, #tpu.memory_space<vmem>>, vector<16xf32>,
      tpu.vector_store %arg6[%swap3A_289, %swap3A_290], %get3A_166 {strides = array<i32>} : memref<32x512xf32, #tpu.memory_space<vmem>>, vector<16xf32>,
      %swap3A_292 = arith.index_cast %scan3A_259 : i32 to index
      %swap3A_293 = arith.constant 432 : index
      %swap3A_294 = tpu.vector_load %arg6[%swap3A_292, %swap3A_293] {strides = array<i32>} : memref<32x512xf32, #tpu.memory_space<vmem>>, vector<16xf32>,
      tpu.vector_store %arg6[%swap3A_292, %swap3A_293], %get3A_169 {strides = array<i32>} : memref<32x512xf32, #tpu.memory_space<vmem>>, vector<16xf32>,
      %swap3A_295 = arith.index_cast %scan3A_259 : i32 to index
      %swap3A_296 = arith.constant 448 : index
      %swap3A_297 = tpu.vector_load %arg6[%swap3A_295, %swap3A_296] {strides = array<i32>} : memref<32x512xf32, #tpu.memory_space<vmem>>, vector<16xf32>,
      tpu.vector_store %arg6[%swap3A_295, %swap3A_296], %get3A_172 {strides = array<i32>} : memref<32x512xf32, #tpu.memory_space<vmem>>, vector<16xf32>,
      %swap3A_298 = arith.index_cast %scan3A_259 : i32 to index
      %swap3A_299 = arith.constant 464 : index
      %swap3A_300 = tpu.vector_load %arg6[%swap3A_298, %swap3A_299] {strides = array<i32>} : memref<32x512xf32, #tpu.memory_space<vmem>>, vector<16xf32>,
      tpu.vector_store %arg6[%swap3A_298, %swap3A_299], %get3A_175 {strides = array<i32>} : memref<32x512xf32, #tpu.memory_space<vmem>>, vector<16xf32>,
      %swap3A_301 = arith.index_cast %scan3A_259 : i32 to index
      %swap3A_302 = arith.constant 480 : index
      %swap3A_303 = tpu.vector_load %arg6[%swap3A_301, %swap3A_302] {strides = array<i32>} : memref<32x512xf32, #tpu.memory_space<vmem>>, vector<16xf32>,
      tpu.vector_store %arg6[%swap3A_301, %swap3A_302], %get3A_178 {strides = array<i32>} : memref<32x512xf32, #tpu.memory_space<vmem>>, vector<16xf32>,
      %swap3A_304 = arith.index_cast %scan3A_259 : i32 to index
      %swap3A_305 = arith.constant 496 : index
      %swap3A_306 = tpu.vector_load %arg6[%swap3A_304, %swap3A_305] {strides = array<i32>} : memref<32x512xf32, #tpu.memory_space<vmem>>, vector<16xf32>,
      tpu.vector_store %arg6[%swap3A_304, %swap3A_305], %get3A_181 {strides = array<i32>} : memref<32x512xf32, #tpu.memory_space<vmem>>, vector<16xf32>,
    }
    %scan3A_186 = arith.constant 32 : i32
    %dma_start3A_187 = arith.constant 0 : i32
    %dma_start3A_188 = arith.constant 0 : i32
    %dma_start3A_189 = arith.constant 0 : i32
    %dma_start3A_190 = tpu.memref_slice %arg4[%dma_start3A_187, %add3A, %dma_start3A_188, %dma_start3A_189] : memref<4x32x32x512xf32, #tpu.memory_space<hbm>> -> memref<1x1x32x512xf32, #tpu.memory_space<hbm>>
    %dma_start3A_191 = tpu.memref_squeeze %dma_start3A_190 : memref<1x1x32x512xf32, #tpu.memory_space<hbm>> -> memref<32x512xf32, #tpu.memory_space<hbm>>
    %dma_start3A_192 = arith.constant 0 : i32
    %dma_start3A_193 = arith.constant 0 : i32
    %dma_start3A_194 = tpu.memref_slice %arg4[%dma_start3A_187, %add3A, %dma_start3A_192, %dma_start3A_193] : memref<4x32x32x512xf32, #tpu.memory_space<hbm>> -> memref<1x1x32x512xf32, #tpu.memory_space<hbm>>
    %dma_start3A_195 = tpu.memref_squeeze %dma_start3A_194 : memref<1x1x32x512xf32, #tpu.memory_space<hbm>> -> memref<32x512xf32, #tpu.memory_space<hbm>>
    tpu.enqueue_dma source(%arg6 : memref<32x512xf32, #tpu.memory_space<vmem>>) target(%dma_start3A_195 : memref<32x512xf32, #tpu.memory_space<hbm>>) target_semaphore(%arg7 : memref<!tpu.dma_semaphore, #tpu.memory_space<semaphore_mem>>)
    %dma_start3A_196 = arith.constant 1 : i32
    %dma_start3A_197 = arith.constant 0 : i32
    %dma_start3A_198 = arith.constant 0 : i32
    %dma_start3A_199 = tpu.memref_slice %arg4[%dma_start3A_196, %add3A, %dma_start3A_197, %dma_start3A_198] : memref<4x32x32x512xf32, #tpu.memory_space<hbm>> -> memref<1x1x32x512xf32, #tpu.memory_space<hbm>>
    %dma_start3A_200 = tpu.memref_squeeze %dma_start3A_199 : memref<1x1x32x512xf32, #tpu.memory_space<hbm>> -> memref<32x512xf32, #tpu.memory_space<hbm>>
    %dma_start3A_201 = arith.constant 0 : i32
    %dma_start3A_202 = arith.constant 0 : i32
    %dma_start3A_203 = tpu.memref_slice %arg4[%dma_start3A_196, %add3A, %dma_start3A_201, %dma_start3A_202] : memref<4x32x32x512xf32, #tpu.memory_space<hbm>> -> memref<1x1x32x512xf32, #tpu.memory_space<hbm>>
    %dma_start3A_204 = tpu.memref_squeeze %dma_start3A_203 : memref<1x1x32x512xf32, #tpu.memory_space<hbm>> -> memref<32x512xf32, #tpu.memory_space<hbm>>
    tpu.enqueue_dma source(%arg6 : memref<32x512xf32, #tpu.memory_space<vmem>>) target(%dma_start3A_204 : memref<32x512xf32, #tpu.memory_space<hbm>>) target_semaphore(%arg7 : memref<!tpu.dma_semaphore, #tpu.memory_space<semaphore_mem>>)
    %dma_start3A_205 = arith.constant 2 : i32
    %dma_start3A_206 = arith.constant 0 : i32
    %dma_start3A_207 = arith.constant 0 : i32
    %dma_start3A_208 = tpu.memref_slice %arg4[%dma_start3A_205, %add3A, %dma_start3A_206, %dma_start3A_207] : memref<4x32x32x512xf32, #tpu.memory_space<hbm>> -> memref<1x1x32x512xf32, #tpu.memory_space<hbm>>
    %dma_start3A_209 = tpu.memref_squeeze %dma_start3A_208 : memref<1x1x32x512xf32, #tpu.memory_space<hbm>> -> memref<32x512xf32, #tpu.memory_space<hbm>>
    %dma_start3A_210 = arith.constant 0 : i32
    %dma_start3A_211 = arith.constant 0 : i32
    %dma_start3A_212 = tpu.memref_slice %arg4[%dma_start3A_205, %add3A, %dma_start3A_210, %dma_start3A_211] : memref<4x32x32x512xf32, #tpu.memory_space<hbm>> -> memref<1x1x32x512xf32, #tpu.memory_space<hbm>>
    %dma_start3A_213 = tpu.memref_squeeze %dma_start3A_212 : memref<1x1x32x512xf32, #tpu.memory_space<hbm>> -> memref<32x512xf32, #tpu.memory_space<hbm>>
    tpu.enqueue_dma source(%arg6 : memref<32x512xf32, #tpu.memory_space<vmem>>) target(%dma_start3A_213 : memref<32x512xf32, #tpu.memory_space<hbm>>) target_semaphore(%arg7 : memref<!tpu.dma_semaphore, #tpu.memory_space<semaphore_mem>>)
    %dma_start3A_214 = arith.constant 3 : i32
    %dma_start3A_215 = arith.constant 0 : i32
    %dma_start3A_216 = arith.constant 0 : i32
    %dma_start3A_217 = tpu.memref_slice %arg4[%dma_start3A_214, %add3A, %dma_start3A_215, %dma_start3A_216] : memref<4x32x32x512xf32, #tpu.memory_space<hbm>> -> memref<1x1x32x512xf32, #tpu.memory_space<hbm>>
    %dma_start3A_218 = tpu.memref_squeeze %dma_start3A_217 : memref<1x1x32x512xf32, #tpu.memory_space<hbm>> -> memref<32x512xf32, #tpu.memory_space<hbm>>
    %dma_start3A_219 = arith.constant 0 : i32
    %dma_start3A_220 = arith.constant 0 : i32
    %dma_start3A_221 = tpu.memref_slice %arg4[%dma_start3A_214, %add3A, %dma_start3A_219, %dma_start3A_220] : memref<4x32x32x512xf32, #tpu.memory_space<hbm>> -> memref<1x1x32x512xf32, #tpu.memory_space<hbm>>
    %dma_start3A_222 = tpu.memref_squeeze %dma_start3A_221 : memref<1x1x32x512xf32, #tpu.memory_space<hbm>> -> memref<32x512xf32, #tpu.memory_space<hbm>>
    tpu.enqueue_dma source(%arg6 : memref<32x512xf32, #tpu.memory_space<vmem>>) target(%dma_start3A_222 : memref<32x512xf32, #tpu.memory_space<hbm>>) target_semaphore(%arg7 : memref<!tpu.dma_semaphore, #tpu.memory_space<semaphore_mem>>)
    %dma_wait3A_223 = arith.constant 0 : i32
    %dma_wait3A_224 = arith.constant 0 : i32
    %dma_wait3A_225 = arith.constant 0 : i32
    %dma_wait3A_226 = tpu.memref_slice %arg4[%dma_wait3A_223, %add3A, %dma_wait3A_224, %dma_wait3A_225] : memref<4x32x32x512xf32, #tpu.memory_space<hbm>> -> memref<1x1x32x512xf32, #tpu.memory_space<hbm>>
    %dma_wait3A_227 = tpu.memref_squeeze %dma_wait3A_226 : memref<1x1x32x512xf32, #tpu.memory_space<hbm>> -> memref<32x512xf32, #tpu.memory_space<hbm>>
    %dma_wait3A_228 = arith.constant 0 : i32
    %dma_wait3A_229 = arith.constant 0 : i32
    %dma_wait3A_230 = tpu.memref_slice %arg4[%dma_wait3A_223, %add3A, %dma_wait3A_228, %dma_wait3A_229] : memref<4x32x32x512xf32, #tpu.memory_space<hbm>> -> memref<1x1x32x512xf32, #tpu.memory_space<hbm>>
    %dma_wait3A_231 = tpu.memref_squeeze %dma_wait3A_230 : memref<1x1x32x512xf32, #tpu.memory_space<hbm>> -> memref<32x512xf32, #tpu.memory_space<hbm>>
    tpu.wait_dma2 semaphore(%arg7 : memref<!tpu.dma_semaphore, #tpu.memory_space<semaphore_mem>>) src(%arg6 : memref<32x512xf32, #tpu.memory_space<vmem>>) dst(%dma_wait3A_231 : memref<32x512xf32, #tpu.memory_space<hbm>>)
    %dma_wait3A_232 = arith.constant 1 : i32
    %dma_wait3A_233 = arith.constant 0 : i32
    %dma_wait3A_234 = arith.constant 0 : i32
    %dma_wait3A_235 = tpu.memref_slice %arg4[%dma_wait3A_232, %add3A, %dma_wait3A_233, %dma_wait3A_234] : memref<4x32x32x512xf32, #tpu.memory_space<hbm>> -> memref<1x1x32x512xf32, #tpu.memory_space<hbm>>
    %dma_wait3A_236 = tpu.memref_squeeze %dma_wait3A_235 : memref<1x1x32x512xf32, #tpu.memory_space<hbm>> -> memref<32x512xf32, #tpu.memory_space<hbm>>
    %dma_wait3A_237 = arith.constant 0 : i32
    %dma_wait3A_238 = arith.constant 0 : i32
    %dma_wait3A_239 = tpu.memref_slice %arg4[%dma_wait3A_232, %add3A, %dma_wait3A_237, %dma_wait3A_238] : memref<4x32x32x512xf32, #tpu.memory_space<hbm>> -> memref<1x1x32x512xf32, #tpu.memory_space<hbm>>
    %dma_wait3A_240 = tpu.memref_squeeze %dma_wait3A_239 : memref<1x1x32x512xf32, #tpu.memory_space<hbm>> -> memref<32x512xf32, #tpu.memory_space<hbm>>
    tpu.wait_dma2 semaphore(%arg7 : memref<!tpu.dma_semaphore, #tpu.memory_space<semaphore_mem>>) src(%arg6 : memref<32x512xf32, #tpu.memory_space<vmem>>) dst(%dma_wait3A_240 : memref<32x512xf32, #tpu.memory_space<hbm>>)
    %dma_wait3A_241 = arith.constant 2 : i32
    %dma_wait3A_242 = arith.constant 0 : i32
    %dma_wait3A_243 = arith.constant 0 : i32
    %dma_wait3A_244 = tpu.memref_slice %arg4[%dma_wait3A_241, %add3A, %dma_wait3A_242, %dma_wait3A_243] : memref<4x32x32x512xf32, #tpu.memory_space<hbm>> -> memref<1x1x32x512xf32, #tpu.memory_space<hbm>>
    %dma_wait3A_245 = tpu.memref_squeeze %dma_wait3A_244 : memref<1x1x32x512xf32, #tpu.memory_space<hbm>> -> memref<32x512xf32, #tpu.memory_space<hbm>>
    %dma_wait3A_246 = arith.constant 0 : i32
    %dma_wait3A_247 = arith.constant 0 : i32
    %dma_wait3A_248 = tpu.memref_slice %arg4[%dma_wait3A_241, %add3A, %dma_wait3A_246, %dma_wait3A_247] : memref<4x32x32x512xf32, #tpu.memory_space<hbm>> -> memref<1x1x32x512xf32, #tpu.memory_space<hbm>>
    %dma_wait3A_249 = tpu.memref_squeeze %dma_wait3A_248 : memref<1x1x32x512xf32, #tpu.memory_space<hbm>> -> memref<32x512xf32, #tpu.memory_space<hbm>>
    tpu.wait_dma2 semaphore(%arg7 : memref<!tpu.dma_semaphore, #tpu.memory_space<semaphore_mem>>) src(%arg6 : memref<32x512xf32, #tpu.memory_space<vmem>>) dst(%dma_wait3A_249 : memref<32x512xf32, #tpu.memory_space<hbm>>)
    %dma_wait3A_250 = arith.constant 3 : i32
    %dma_wait3A_251 = arith.constant 0 : i32
    %dma_wait3A_252 = arith.constant 0 : i32
    %dma_wait3A_253 = tpu.memref_slice %arg4[%dma_wait3A_250, %add3A, %dma_wait3A_251, %dma_wait3A_252] : memref<4x32x32x512xf32, #tpu.memory_space<hbm>> -> memref<1x1x32x512xf32, #tpu.memory_space<hbm>>
    %dma_wait3A_254 = tpu.memref_squeeze %dma_wait3A_253 : memref<1x1x32x512xf32, #tpu.memory_space<hbm>> -> memref<32x512xf32, #tpu.memory_space<hbm>>
    %dma_wait3A_255 = arith.constant 0 : i32
    %dma_wait3A_256 = arith.constant 0 : i32
    %dma_wait3A_257 = tpu.memref_slice %arg4[%dma_wait3A_250, %add3A, %dma_wait3A_255, %dma_wait3A_256] : memref<4x32x32x512xf32, #tpu.memory_space<hbm>> -> memref<1x1x32x512xf32, #tpu.memory_space<hbm>>
    %dma_wait3A_258 = tpu.memref_squeeze %dma_wait3A_257 : memref<1x1x32x512xf32, #tpu.memory_space<hbm>> -> memref<32x512xf32, #tpu.memory_space<hbm>>
    tpu.wait_dma2 semaphore(%arg7 : memref<!tpu.dma_semaphore, #tpu.memory_space<semaphore_mem>>) src(%arg6 : memref<32x512xf32, #tpu.memory_space<vmem>>) dst(%dma_wait3A_258 : memref<32x512xf32, #tpu.memory_space<hbm>>)
    return
  }
}

</mosaic_0001>

<sc_bundles>
// kernel: kernel.3.cloned.1.call-start
scs
__scs_entry_jumppad:
0x0: {  	(pc) =	sbr.rel $0x88, $3  }
0x1: {  	(tag) =	ssettag $0x0;
	lr =	simm.s32 $0x1  }
0x2: {  	[smem:$0x3F9F] =	sst lr;
	_ =	strace $0xD0000000  }
0x3: {  	_ = 	snop  }
0x4: {  	_ = 	snop  }
0x5: {  	_ = 	snop  }
0x6: {  	_ = 	snop  }
0x7: {  	_ = 	snop  }
__scs_overlays_trampoline_lowered:
0x8: {  	[smem:$0x3FAE] =	sst s0  }
0x9: {  	[smem:$0x3FAF] =	sst s1  }
0xa: {  	[smem:$0x3FB0] =	sst s2  }
0xb: {  	[smem:$0x3FB1] =	sst s3  }
0xc: {  	[smem:$0x3FB2] =	sst s4  }
0xd: {  	[smem:$0x3FB3] =	sst s5  }
0xe: {  	[smem:$0x3FB4] =	sst s6  }
0xf: {  	[smem:$0x3FB5] =	sst s7  }
0x10: {  	[smem:$0x3FB6] =	sst s8  }
0x11: {  	[smem:$0x3FB7] =	sst s9;
	s0 =	simm.s32 @!p0 $0x0  }
0x12: {  	s1 =	sld [smem:$0x3F9D];
	s0 =	simm.s32 @p0 $0x1  }
0x13: {  	[smem:$0x3FB8] =	sst s0;
	s0 =	simm.s32 @!p1 $0x0  }
0x14: {  	s2 =	sld [smem:$0x3F9C];
	s0 =	simm.s32 @p1 $0x1  }
0x15: {  	[smem:$0x3FB9] =	sst s0;
	s0 =	simm.s32 @!p2 $0x0  }
0x16: {  	s3 =	sld [smem:$0x3FDB];
	s0 =	simm.s32 @p2 $0x1  }
0x17: {  	s4 =	simm.s32 $0x1BF5;
	[smem:$0x3FBB] =	sst s0  }
0x18: {  	s0 =	sld [smem:$0x3F9E];
	_ =	swait.ge [sflag:s4], $0x0  }
0x19: {  	s7 =	sld [smem:$0x3F9F]  }
0x1a: {  	s8 =	sadd.s32 $0xFFFFE003, lr  }
0x1b: {  	s9 =	sadd.s32 $0xFFFFFEF7, lr;
	s5 =	simm.s32 $0xFFFFFFFF;
	p2 =	slt.u32 s8, $0xFFFFF086  }
0x1c: {  	p1 =	slt.u32 s9, $0xF7A;
	s5 =	simm.s32 @!p2 $0x0  }
0x1d: {  	s5 =	simm.s32 @p1 $0x1;
	p0 =	seq.s32 s7, s2  }
0x1e: {  	s7 =	smul.u32 @!p0 $0xF7A, s2;
	p2 =	seq.s32 @!p0 s5, $0x0  }
0x1f: {  	s9 =	smul.u32 $0xF7A, s1;
	s8 =	simm.s32 @!p0 $0x1BF5;
	p2 =	por !p2, p0  }
0x20: {  	[sflag:s8] =	ssyncset.s32 @!p0 $0xFFFFF086;
	s6 =	sadd.s32 @!p0 s3, s7;
	s7 =	simm.s32 @!p0 $0x108  }
0x21: {  	s3 =	sadd.s32 s3, s9;
	s6 =	sadd.s32 @!p0 $0x88, s6;
	s7 =	simm.s32 @p2 $0x1082  }
0x22: {  	[simem:s7], [sflag:s8] =	dma.local @!p0 [hbm:s6], $0xF7A  }
0x23: {  	s9 =	sor.u32 $0xD0000000, s2;
	s6 =	simm.s32 $0x108;
	_ =	swait.ge @!p0 [sflag:s8], $0x0  }
0x24: {  	s3 =	sadd.s32 $0x88, s3;
	s6 =	simm.s32 @!p1 $0x1082;
	[sflag:s4] =	ssyncset.s32 $0xFFFFF086  }
0x25: {  	[simem:s6], [sflag:s4] =	dma.local [hbm:s3], $0xF7A  }
0x26: {  	[smem:$0x3F9F] =	sst s1;
	(tag) =	ssettag s2;
	_ =	strace s9  }
0x27: {  	s1 =	sld [smem:$0x3FAF]  }
0x28: {  	s2 =	sld [smem:$0x3FB0]  }
0x29: {  	s4 =	sld [smem:$0x3FB2]  }
0x2a: {  	p0 =	seq.s32 s5, $0x0;
	s5 =	sld [smem:$0x3FB3]  }
0x2b: {  	s6 =	sld [smem:$0x3FB4]  }
0x2c: {  	s7 =	sld [smem:$0x3FB5]  }
0x2d: {  	s3 =	simm.s32 $0x108;
	s8 =	sld [smem:$0x3FB6]  }
0x2e: {  	s3 =	simm.s32 @!p0 $0x1082;
	s9 =	sld [smem:$0x3FB7]  }
0x2f: {  	lr =	sadd.s32 s0, s3;
	s0 =	sld [smem:$0x3FAE]  }
0x30: {  	s3 =	sld [smem:$0x3FB1]  }
0x31: {  	[smem:$0x3FBA] =	sst s10  }
0x32: {  	s10 =	sld [smem:$0x3FB8];
	_ =	sdelay $0x3  }
0x33: {  	p0 =	seq.s32 s10, $0x1;
	s10 =	sld [smem:$0x3FBA];
	_ =	sdelay $0x3  }
0x34: {  	[smem:$0x3FBA] =	sst s10  }
0x35: {  	s10 =	sld [smem:$0x3FB9];
	_ =	sdelay $0x3  }
0x36: {  	p1 =	seq.s32 s10, $0x1;
	s10 =	sld [smem:$0x3FBA];
	_ =	sdelay $0x3  }
0x37: {  	[smem:$0x3FBA] =	sst s10  }
0x38: {  	s10 =	sld [smem:$0x3FBB]  }
0x39: {  	_ = 	snop;
	(pc) =	sbr.ind lr, $3  }
0x3a: {  	_ = 	snop  }
0x3b: {  	_ = 	snop  }
0x3c: {  	p2 =	seq.s32 s10, $0x1;
	s10 =	sld [smem:$0x3FBA]  }
0x3d: {  	_ =	shalt  }
0x3e: {  	_ =	shalt  }
0x3f: {  	_ =	shalt  }
0x40: {  	_ =	shalt  }
0x41: {  	_ =	shalt  }
0x42: {  	_ =	shalt  }
0x43: {  	_ =	shalt  }
0x44: {  	_ =	shalt  }
0x45: {  	_ =	shalt  }
0x46: {  	_ =	shalt  }
0x47: {  	_ =	shalt  }
0x48: {  	_ =	shalt  }
0x49: {  	_ =	shalt  }
0x4a: {  	_ =	shalt  }
0x4b: {  	_ =	shalt  }
0x4c: {  	_ =	shalt  }
0x4d: {  	_ =	shalt  }
0x4e: {  	_ =	shalt  }
0x4f: {  	_ =	shalt  }
0x50: {  	_ =	shalt  }
0x51: {  	_ =	shalt  }
0x52: {  	_ =	shalt  }
0x53: {  	_ =	shalt  }
0x54: {  	_ =	shalt  }
0x55: {  	_ =	shalt  }
0x56: {  	_ =	shalt  }
0x57: {  	_ =	shalt  }
0x58: {  	_ =	shalt  }
0x59: {  	_ =	shalt  }
0x5a: {  	_ =	shalt  }
0x5b: {  	_ =	shalt  }
0x5c: {  	_ =	shalt  }
0x5d: {  	_ =	shalt  }
0x5e: {  	_ =	shalt  }
0x5f: {  	_ =	shalt  }
0x60: {  	_ =	shalt  }
0x61: {  	_ =	shalt  }
0x62: {  	_ =	shalt  }
0x63: {  	_ =	shalt  }
0x64: {  	_ =	shalt  }
0x65: {  	_ =	shalt  }
0x66: {  	_ =	shalt  }
0x67: {  	_ =	shalt  }
0x68: {  	_ =	shalt  }
0x69: {  	_ =	shalt  }
0x6a: {  	_ =	shalt  }
0x6b: {  	_ =	shalt  }
0x6c: {  	_ =	shalt  }
0x6d: {  	_ =	shalt  }
0x6e: {  	_ =	shalt  }
0x6f: {  	_ =	shalt  }
0x70: {  	_ =	shalt  }
0x71: {  	_ =	shalt  }
0x72: {  	_ =	shalt  }
0x73: {  	_ =	shalt  }
0x74: {  	_ =	shalt  }
0x75: {  	_ =	shalt  }
0x76: {  	_ =	shalt  }
0x77: {  	_ =	shalt  }
0x78: {  	_ =	shalt  }
0x79: {  	_ =	shalt  }
0x7a: {  	_ =	shalt  }
0x7b: {  	_ =	shalt  }
0x7c: {  	_ =	shalt  }
0x7d: {  	_ =	shalt  }
0x7e: {  	_ =	shalt  }
0x7f: {  	_ =	shalt  }
0x80: {  	_ =	shalt  }
0x81: {  	_ =	shalt  }
0x82: {  	_ =	shalt  }
0x83: {  	_ =	shalt  }
0x84: {  	_ =	shalt  }
0x85: {  	_ =	shalt  }
0x86: {  	_ =	shalt  }
0x87: {  	_ =	shalt  }
.Lfunc_end0:
.L_simem_size_0:
called_computation_lowered:
.L_overlay_start_0:
0x88: {  	s2 =	sld [smem:$0x3FD9]  }
0x89: {  	s3 =	sld [smem:$0x3FFE];
	_ =	sdelay $0x1  }
0x8a: {  	s1 =	srdreg.scid  }
0x8b: {  	s0 =	sand.u32 $0x1, s1  }
0x8c: {  	s18 =	sshll.u32 s0, $0xA;
	s2 =	sadd.s32 s3, s2  }
0x8d: {  	s2 =	sadd.s32 s2, s18  }
0x8e: {  	[smem:$0x3FC6] =	sst s2  }
0x8f: {  	_ = 	snop  }
0x90: {  	s2 =	sld [smem:$0x3FC9]  }
0x91: {  	s19 =	sld [smem:$0x3FC8]  }
0x92: {  	s4 =	sld [smem:$0x3FD0];
	(tm) =	ssettm $0x1  }
0x93: {  	s5 =	sld [smem:$0x3FFB];
	_ =	sdelay $0x3  }
0x94: {  	_ =	strace s5  }
0x95: {  	s5 =	sld [smem:$0x3FFC];
	_ =	sdelay $0x3  }
0x96: {  	_ =	strace s5  }
0x97: {  	s5 =	sld [smem:$0x3FFD];
	_ =	sdelay $0x3  }
0x98: {  	_ =	strace s5  }
0x99: {  	_ =	strace $0x8FFFFFFF  }
0x9a: {  	s20 =	sld [smem:$0x3FDB];
	_ =	sdelay $0x1  }
0x9b: {  	s6 =	simm.s32 $_scs_section_size  }
0x9c: {  	s7 =	simm.s32 $_size__tile_overlayer_lowered;
	s8 =	simm.s32 $_tile_overlayer_lowered  }
0x9d: {  	s23 =	simm.s32 $0x1BFF;
	s22 =	sshll.u32 s8, $0x1;
	s5 =	sadd.s32 s6, s20  }
0x9e: {  	s9 =	simm.s32 $0x0;
	s21 =	sshll.u32 s7, $0x1;
	s7 =	sadd.s32 s22, s5  }
0x9f: {  	[timem:s9], [sflag:s23] =	dma.local [hbm:s7], s21  }
0xa0: {  	_ =	swait.ge [sflag:s23], s21  }
0xa1: {  	s6 =	ssub.s32 $0x0, s21;
	[sflag:s23] =	ssyncset.done $0x0  }
0xa2: {  	[sflag:s23] =	ssyncadd.s32 s6;
	_ =	sdelay $0x1  }
0xa3: {  	s24 =	simm.s32 $0x1B8B  }
0xa4: {  	_ =	swait.ge [sflag:s24], $0x1  }
0xa5: {  	[sflag:s24] =	ssyncset.done $0x0  }
0xa6: {  	s25 =	simm.s32 $0x1B8E;
	[sflag:s24] =	ssyncadd.s32 $0xFFFFFFFF  }
0xa7: {  	s26 =	simm.s32 $execute0_lowered;
	[smem:$0x3FD2] =	sst s25  }
0xa8: {  	s6 =	sshll.u32 s26, $0x1;
	_ =	strace $0x80000046;
	[dreg:$0x1] =	wrdreg $0xFFFFFFFF  }
0xa9: {  	s28 =	simm.s32 $_size_execute0_lowered;
	s5 =	sadd.s32 s5, s6;
	[dreg:$0x0] =	wrdreg $0x0  }
0xaa: {  	s6 =	sshll.u32 s28, $0x1;
	[dreg:$0x2] =	wrdreg s5  }
0xab: {  	[dreg:$0x3] =	wrdreg s6  }
0xac: {  	[dreg:$0x4] =	wrdreg $0xC0  }
0xad: {  	_ =	task [dreg:s9], $0x5FFFF  }
0xae: {  	[dreg:$0x1] =	wrdreg $0xFFFFFFFF  }
0xaf: {  	[dreg:$0x0] =	wrdreg $0x60  }
0xb0: {  	[dreg:$0x2] =	wrdreg s2  }
0xb1: {  	[dreg:$0x3] =	wrdreg s19  }
0xb2: {  	[dreg:$0x4] =	wrdreg s4  }
0xb3: {  	[dreg:$0x5] =	wrdreg $0x9  }
0xb4: {  	_ =	task.clear_ibuf [dreg:s9], $0x6FFFF;
	_ =	strace $0x90000046  }
0xb5: {  	s29 =	simm.s32 $0x9;
	_ =	strace $0x80000048  }
0xb6: {  	_ =	swait.ge [sflag:s29], $0x1  }
0xb7: {  	[sflag:s29] =	ssyncadd.s32 $0xFFFFFFFF  }
0xb8: {  	_ =	strace $0x90000048  }
0xb9: {  	_ =	sfence  }
0xba: {  	s30 =	sld [smem:$0x0];
	_ =	sdelay $0x2  }
0xbb: {  	s31 =	sshll.u32 s1, $0xD;
	s1 =	sshrl.u32 s1, $0x2  }
0xbc: {  	s3 =	sand.u32 $0x4000, s31;
	s1 =	sadd.s32 s1, s30  }
0xbd: {  	s0 =	sor.u32 s3, s0;
	s1 =	sshll.u32 s1, $0x11  }
0xbe: {  	s0 =	sor.u32 s1, s0  }
0xbf: {  	s0 =	sadd.s32 $0x8F2B, s0  }
0xc0: {  	[sflag:s0] =	ssyncadd.remote.s32 $0x1  }
0xc1: {  	_ =	sfence.sel $0xFFFF  }
0xc2: {  	[dreg:$0x0] =	wrdreg $0xFFFFFFFF;
	(pc) =	sbr.abs _section_cstart, $3  }
0xc3: {  	[dreg:$0x1] =	wrdreg $0xFFFFFFFF  }
0xc4: {  	_ =	task.clear_ibuf [dreg:s9], $0x2FFFF;
	_ =	strace $0x9FFFFFFF  }
0xc5: {  	(tm) =	ssettm $0x7FFFFFFF  }
tec
execute0_lowered:
.L_overlay_start_1:
0x0: {  	(tag) =	ssettag $0x1  }
0x1: {  	s7 =	rddreg [dreg:$0x0]  }
0x2: {  	s1 =	rddreg [dreg:$0x1]  }
0x3: {  	s8 =	rddreg [dreg:$0x2]  }
0x4: {  	s2 =	srdreg.scid;
	s0 =	rddreg [dreg:$0x3];
	s3 =	simm.s32 $0x0  }
0x5: {  	s14 =	simm.s32 $0x800;
	s15 =	simm.s32 $0x1800;
	s16 =	simm.s32 $0x2800  }
0x6: {  	s17 =	simm.s32 $0x3800;
	s18 =	simm.s32 $0x2;
	s19 =	simm.s32 $0x1  }
0x7: {  	s20 =	simm.s32 $0x0;
	s4 =	sand.u32 $0x1, s2;
	s2 =	stileid.u32  }
0x8: {  	[smem:$0x7FF] =	sst s3;
	s5 =	ssub.s32 $0x2, s4;
	s9 =	sshll.u32 s2, $0x1  }
0x9: {  	_ =	strace $0x80000047;
	s10 =	sshll.u32 s2, $0x6;
	s6 =	sshrl.u32 s5, $0x1  }
0xa: {  	s9 =	sor.u32 s4, s9;
	s4 =	sadd.s32 $0x100, s1;
	s10 =	sand.u32 $0x300, s10  }
0xb: {  	s13 =	ssub.s32 s5, s6;
	s5 =	sadd.s32 $0x200, s1;
	s6 =	sadd.s32 $0x300, s1  }
0xc: {  	s11 =	sshll.u32 s9, $0xB;
	s7 =	sadd.s32 s7, s10;
	s9 =	sshll.u32 s9, $0x7  }
0xd: {  	s8 =	sadd.s32 s8, s11;
	s9 =	sand.u32 $0x380, s9;
	s13 =	smax.u32 s13, $0x1  }
0xe: {  	s10 =	sadd.s32 $0x10000, s8;
	s11 =	sadd.s32 $0x20000, s8;
	s12 =	sadd.s32 $0x30000, s8  }
.LBB2_1:
0xf: {  	[tilespmem:s14], [sflag:$0x2] =	stream.linear.gather [hbm4b:s1+s3], $0x800, $0x38;
	[tilespmem:$0x4800] =	vst v63  }
0x10: {  	_ = 	snop  }
0x11: {  	[tilespmem:s15], [sflag:$0x2] =	stream.linear.gather [hbm4b:s4+s3], $0x800, $0x38;
	[tilespmem:$0x4800] =	vst v63  }
0x12: {  	_ = 	snop  }
0x13: {  	[tilespmem:s16], [sflag:$0x2] =	stream.linear.gather [hbm4b:s5+s3], $0x800, $0x38;
	[tilespmem:$0x4800] =	vst v63  }
0x14: {  	_ = 	snop  }
0x15: {  	[tilespmem:s17], [sflag:$0x2] =	stream.linear.gather [hbm4b:s6+s3], $0x800, $0x38;
	[tilespmem:$0x4800] =	vst v63  }
0x16: {  	_ = 	snop  }
0x17: {  	[tilespmem:s3], [sflag:$0x2] =	stream.linear.gather [hbm4b:s7+s3], $0x800, $0x38;
	[tilespmem:$0x4800] =	vst v63  }
0x18: {  	_ =	swait.ge [sflag:s18], $0x800  }
0x19: {  	[sflag:s18] =	ssyncset.done $0x0  }
0x1a: {  	[sflag:s18] =	ssyncadd.s32 $0xFFFFF800  }
0x1b: {  	_ =	swait.ge [sflag:s18], $0x800  }
0x1c: {  	[sflag:s18] =	ssyncset.done $0x0  }
0x1d: {  	[sflag:s18] =	ssyncadd.s32 $0xFFFFF800  }
0x1e: {  	_ =	swait.ge [sflag:s18], $0x800  }
0x1f: {  	[sflag:s18] =	ssyncset.done $0x0  }
0x20: {  	[sflag:s18] =	ssyncadd.s32 $0xFFFFF800  }
0x21: {  	_ =	swait.ge [sflag:s18], $0x800  }
0x22: {  	[sflag:s18] =	ssyncset.done $0x0  }
0x23: {  	[sflag:s18] =	ssyncadd.s32 $0xFFFFF800  }
0x24: {  	_ =	swait.ge [sflag:s18], $0x800  }
0x25: {  	[sflag:s18] =	ssyncset.done $0x0  }
0x26: {  	[sflag:s18] =	ssyncadd.s32 $0xFFFFF800  }
0x27: {  	v0 =	vld [tilespmem:s9+$0x0]  }
0x28: {  	v1 =	vld [tilespmem:s9+$0x10]  }
0x29: {  	v2 =	vld [tilespmem:s9+$0x20]  }
0x2a: {  	v3 =	vld [tilespmem:s9+$0x30]  }
0x2b: {  	v4 =	vld [tilespmem:s9+$0x40]  }
0x2c: {  	v5 =	vld [tilespmem:s9+$0x50]  }
0x2d: {  	v6 =	vld [tilespmem:s9+$0x60]  }
0x2e: {  	v7 =	vld [tilespmem:s9+$0x70]  }
0x2f: {  	v8 =	vld [tilespmem:s9+$0x400]  }
0x30: {  	v9 =	vld [tilespmem:s9+$0x410]  }
0x31: {  	v15 =	vld [tilespmem:s9+$0x470]  }
0x32: {  	v10 =	vld [tilespmem:s9+$0x420]  }
0x33: {  	v11 =	vld [tilespmem:s9+$0x430]  }
0x34: {  	s21 =	sand.u32 $0x3000, s3;
	s22 =	sand.u32 $0x380, s3;
	v12 =	vld [tilespmem:s9+$0x440]  }
0x35: {  	s21 =	sor.u32 s22, s21;
	v13 =	vld [tilespmem:s9+$0x450]  }
0x36: {  	v14 =	vld [tilespmem:s9+$0x460];
	[tilespmem:s21+$0x1470] =	vst v15  }
0x37: {  	[tilespmem:s21+$0x1000] =	vst v0  }
0x38: {  	[tilespmem:s21+$0x1010] =	vst v1  }
0x39: {  	[tilespmem:s21+$0x1020] =	vst v2  }
0x3a: {  	[tilespmem:s21+$0x1030] =	vst v3  }
0x3b: {  	[tilespmem:s21+$0x1040] =	vst v4  }
0x3c: {  	[tilespmem:s21+$0x1050] =	vst v5  }
0x3d: {  	[tilespmem:s21+$0x1060] =	vst v6  }
0x3e: {  	[tilespmem:s21+$0x1070] =	vst v7  }
0x3f: {  	[tilespmem:s21+$0x1400] =	vst v8  }
0x40: {  	[tilespmem:s21+$0x1410] =	vst v9  }
0x41: {  	[tilespmem:s21+$0x1420] =	vst v10  }
0x42: {  	[tilespmem:s21+$0x1430] =	vst v11  }
0x43: {  	s23 =	simm.s32 $0x200;
	s22 =	simm.s32 $0x80;
	[tilespmem:s21+$0x1440] =	vst v12  }
0x44: {  	s24 =	sand.u32 $0x3000, s23;
	s23 =	simm.s32 $0x400;
	s25 =	sand.u32 $0x380, s22;
	[tilespmem:s21+$0x1450] =	vst v13  }
.LBB2_2:
0x45: {  	p0 =	sne.s32 s23, $0x3E00;
	[tilespmem:s21+$0x1460] =	vst v14;
	s21 =	sor.u32 s25, s24  }
0x46: {  	[tilespmem:s21+$0x1470] =	vst v15  }
0x47: {  	[tilespmem:s21+$0x1000] =	vst v0  }
0x48: {  	[tilespmem:s21+$0x1010] =	vst v1  }
0x49: {  	[tilespmem:s21+$0x1020] =	vst v2  }
0x4a: {  	[tilespmem:s21+$0x1030] =	vst v3  }
0x4b: {  	[tilespmem:s21+$0x1040] =	vst v4  }
0x4c: {  	[tilespmem:s21+$0x1050] =	vst v5  }
0x4d: {  	[tilespmem:s21+$0x1060] =	vst v6  }
0x4e: {  	[tilespmem:s21+$0x1070] =	vst v7  }
0x4f: {  	[tilespmem:s21+$0x1400] =	vst v8  }
.Ltmp0:
0x50: {  	[tilespmem:s21+$0x1410] =	vst v9;
	(pc) =	sbr.rel @p0 .LBB2_2-.Ltmp0, $4  }
0x51: {  	[tilespmem:s21+$0x1420] =	vst v10  }
0x52: {  	[tilespmem:s21+$0x1430] =	vst v11  }
0x53: {  	s22 =	sadd.s32 $0x80, s22;
	[tilespmem:s21+$0x1440] =	vst v12  }
0x54: {  	s24 =	sand.u32 $0x3000, s23;
	s23 =	sadd.s32 $0x200, s23;
	s25 =	sand.u32 $0x380, s22;
	[tilespmem:s21+$0x1450] =	vst v13  }
0x55: {  	s22 =	sor.u32 s25, s24;
	[tilespmem:s21+$0x1460] =	vst v14  }
0x56: {  	[tilespmem:s22+$0x1470] =	vst v15  }
0x57: {  	[tilespmem:s22+$0x1000] =	vst v0  }
0x58: {  	[tilespmem:s22+$0x1010] =	vst v1  }
0x59: {  	[tilespmem:s22+$0x1020] =	vst v2  }
0x5a: {  	[tilespmem:s22+$0x1030] =	vst v3  }
0x5b: {  	[tilespmem:s22+$0x1040] =	vst v4  }
0x5c: {  	[tilespmem:s22+$0x1050] =	vst v5  }
0x5d: {  	[tilespmem:s22+$0x1060] =	vst v6  }
0x5e: {  	[tilespmem:s22+$0x1070] =	vst v7  }
0x5f: {  	[tilespmem:s22+$0x1400] =	vst v8  }
0x60: {  	[tilespmem:s22+$0x1410] =	vst v9  }
0x61: {  	[tilespmem:s22+$0x1420] =	vst v10  }
0x62: {  	[tilespmem:s22+$0x1430] =	vst v11  }
0x63: {  	[tilespmem:s22+$0x1440] =	vst v12  }
0x64: {  	[tilespmem:s22+$0x1450] =	vst v13  }
0x65: {  	[tilespmem:s22+$0x1460] =	vst v14  }
0x66: {  	[hbm4b:s8+s3] =	stream.linear.scatter [tilespmem:s14], [sflag:$0x1], $0x4000, $0x38;
	[tilespmem:$0x4800] =	vst v63  }
0x67: {  	_ = 	snop  }
0x68: {  	[hbm4b:s10+s3] =	stream.linear.scatter [tilespmem:s14], [sflag:$0x1], $0x4000, $0x38;
	[tilespmem:$0x4800] =	vst v63  }
0x69: {  	_ = 	snop  }
0x6a: {  	[hbm4b:s11+s3] =	stream.linear.scatter [tilespmem:s14], [sflag:$0x1], $0x4000, $0x38;
	[tilespmem:$0x4800] =	vst v63  }
0x6b: {  	_ = 	snop  }
0x6c: {  	[hbm4b:s12+s3] =	stream.linear.scatter [tilespmem:s14], [sflag:$0x1], $0x4000, $0x38;
	[tilespmem:$0x4800] =	vst v63  }
0x6d: {  	_ =	swait.ge [sflag:s19], $0x4000  }
0x6e: {  	[sflag:s19] =	ssyncset.done $0x0  }
0x6f: {  	[sflag:s19] =	ssyncadd.s32 $0xFFFFC000  }
0x70: {  	_ =	swait.ge [sflag:s19], $0x4000  }
0x71: {  	[sflag:s19] =	ssyncset.done $0x0  }
0x72: {  	s20 =	sadd.s32 $0x1, s20;
	[sflag:s19] =	ssyncadd.s32 $0xFFFFC000  }
0x73: {  	p0 =	sne.s32 s20, s13;
	_ =	swait.ge [sflag:s19], $0x4000  }
.Ltmp1:
0x74: {  	[sflag:s19] =	ssyncset.done $0x0;
	(pc) =	sbr.rel @p0 .LBB2_1-.Ltmp1, $4  }
0x75: {  	[sflag:s19] =	ssyncadd.s32 $0xFFFFC000  }
0x76: {  	_ =	swait.ge [sflag:s19], $0x4000  }
0x77: {  	[sflag:s19] =	ssyncset.done $0x0  }
0x78: {  	[sflag:s19] =	ssyncadd.s32 $0xFFFFC000  }
0x79: {  	_ =	sfence.sel $0x180000  }
0x7a: {  	[bflag:$0x0] =	sbarrier.arrive $0xFFFF  }
0x7b: {  	p0 =	sne.s32 s2, $0x0;
	_ =	strace $0x90000047  }
0x7c: {  	s0 =	sadd.s32 @!p0 $0x100000, s0;
	[bflag:$0x2] =	sbarrier.arrive $0xFFFF  }
0x7d: {  	[sflag:s0] =	ssyncadd.tile.s32 @!p0 $0x1;
	_ =	shalt  }
.Lfunc_end2:
_tile_overlayer_lowered:
.L_overlay_start_2:
0x7e: {  	(tag) =	ssettag $0x2  }
0x7f: {  	s0 =	rddreg [dreg:$0x0];
	s2 =	stileid.u32  }
0x80: {  	s1 =	rddreg [dreg:$0x1];
	p0 =	sne.s32 s2, $0x0  }
0x81: {  	s3 =	rddreg [dreg:$0x2];
	[bflag:$0x3] =	sbarrier.arrive $0xFFFF;
	s2 =	simm.s32 @!p0 $0x1C03  }
0x82: {  	[timem:s3], [sflag:s2] =	dma.local @!p0 [hbm:s0], s1  }
0x83: {  	s0 =	simm.s32 @!p0 $0x3  }
0x84: {  	_ =	swait.ge @!p0 [sflag:s0], s1  }
0x85: {  	s1 =	ssub.s32 @!p0 $0x0, s1;
	[sflag:s0] =	ssyncset.done @!p0 $0x0  }
0x86: {  	[sflag:s0] =	ssyncadd.s32 @!p0 s1  }
0x87: {  	[bflag:$0x3] =	sbarrier.arrive $0xFFFF  }
0x88: {  	_ =	shalt  }

</sc_bundles>
